<compile_context>
chip_gen: v7x
topology: tpu7x:2x2x1
jax: 0.10.2.dev20260603
libtpu: 0.0.44.dev20260713+nightly
codegen_flags: <defaults>
</compile_context>

<pallas_src>
import jax
import jax.numpy as jnp
from jax import lax
from jax.experimental import pallas as pl
from jax.experimental.pallas import tpu as pltpu
from jax.experimental.pallas import tpu_sc as plsc

N = 100000
NUM_Z = 119
NC = 2
NS = 16
L = 16
NW = NC * NS
CHUNK = 3136
assert NW * CHUNK >= N and CHUNK % L == 0 and (N - CHUNK) % 8 == 0


def _sc_scale_shift(out_hbm, z_hbm, scale_hbm, shift_hbm, res_hbm,
                    out_v, z_v, scale_v, shift_v, sem):
    wid = lax.axis_index("s") * NC + lax.axis_index("c")
    base = jnp.minimum(wid * CHUNK, N - CHUNK)

    cp_z = pltpu.make_async_copy(z_hbm.at[pl.ds(base, CHUNK)], z_v, sem)
    cp_o = pltpu.make_async_copy(out_hbm.at[pl.ds(base, CHUNK)], out_v, sem)
    cp_s = pltpu.make_async_copy(scale_hbm, scale_v, sem)
    cp_t = pltpu.make_async_copy(shift_hbm, shift_v, sem)
    cp_z.start()
    cp_o.start()
    cp_s.start()
    cp_t.start()
    cp_z.wait()
    cp_o.wait()
    cp_s.wait()
    cp_t.wait()

    @plsc.parallel_loop(0, CHUNK, step=L, unroll=8)
    def body(off):
        idx = z_v[pl.ds(off, L)]
        s = plsc.load_gather(scale_v, [idx])
        t = plsc.load_gather(shift_v, [idx])
        out_v[pl.ds(off, L)] = out_v[pl.ds(off, L)] * s + t

    pltpu.sync_copy(out_v, res_hbm.at[pl.ds(base, CHUNK)])


@jax.jit
def _run(output_flat, z_i32, scale_flat, shift_flat):
    k = pl.kernel(
        _sc_scale_shift,
        out_type=jax.ShapeDtypeStruct((N,), jnp.float32),
        mesh=plsc.VectorSubcoreMesh(core_axis_name="c", subcore_axis_name="s"),
        compiler_params=pltpu.CompilerParams(
            needs_layout_passes=False,
            disable_bounds_checks=True,
            disable_semaphore_checks=True,
            skip_device_barrier=True,
        ),
        scratch_types=[
            pltpu.VMEM((CHUNK,), jnp.float32),
            pltpu.VMEM((CHUNK,), jnp.int32),
            pltpu.VMEM((NUM_Z,), jnp.float32),
            pltpu.VMEM((NUM_Z,), jnp.float32),
            pltpu.SemaphoreType.DMA,
        ],
    )
    return k(output_flat, z_i32, scale_flat, shift_flat)


def kernel(output, z, scale_w, shift_w):
    res = _run(
        output.reshape(N),
        z.astype(jnp.int32),
        scale_w.reshape(NUM_Z),
        shift_w.reshape(NUM_Z),
    )
    return res.reshape(N, 1)

# --- scband reference (transcript-rebuilt; emitter-appended) ---
"""Pipeline reference for scband-scale-shift-4750233829393 (READ-ONLY COPY).

The authoritative reference and input builder live on the scoring server;
editing this copy changes nothing except your own understanding.
"""

import jax, jax.numpy as jnp
import numpy as np

N = 100000
NUM_Z = 118 + 1

def setup_inputs(seed: int = 0) -> dict:
    key = jax.random.key(seed)
    k1, k2 = jax.random.split(key)
    output = jax.random.normal(k1, (N, 1), dtype=jnp.float32)
    z = jax.random.randint(k2, (N,), 0, NUM_Z, dtype=jnp.int64)
    # learned parameters: scale initialized to ones, shift to zeros (as in from_pretrained)
    scale_w = jnp.ones((NUM_Z, 1), dtype=jnp.float32)
    shift_w = jnp.zeros((NUM_Z, 1), dtype=jnp.float32)
    return {"output": output, "z": z, "scale_w": scale_w, "shift_w": shift_w}

def reference(output, z, scale_w, shift_w):
    # output = output * scale(z)
    out = output * jnp.take(scale_w, z, axis=0)
    # output = output + shift(z)
    out = out + jnp.take(shift_w, z, axis=0)
    return out

if __name__ == "__main__":
    import jax
    _d = setup_inputs()
    print(jax.jit(kernel)(*tuple(_d.values())))

</pallas_src>

<mosaic_0001>
#map = affine_map<(d0, d1) -> (0)>
module attributes {stable_mosaic.version = 14 : i64} {
  func.func @_sc_scale_shift(%arg0: i32, %arg1: i32, %arg2: memref<100000xf32, #tpu.memory_space<hbm>>, %arg3: memref<100000xi32, #tpu.memory_space<hbm>>, %arg4: memref<119xf32, #tpu.memory_space<hbm>>, %arg5: memref<119xf32, #tpu.memory_space<hbm>>, %arg6: memref<100000xf32, #tpu.memory_space<hbm>>, %arg7: memref<3136xf32, #tpu.memory_space<vmem>>, %arg8: memref<3136xi32, #tpu.memory_space<vmem>>, %arg9: memref<119xf32, #tpu.memory_space<vmem>>, %arg10: memref<119xf32, #tpu.memory_space<vmem>>, %arg11: memref<!tpu.dma_semaphore, #tpu.memory_space<semaphore_mem>>) attributes {dimension_semantics = [#tpu.dimension_semantics<core_parallel>, #tpu.dimension_semantics<subcore_parallel>], iteration_bounds = array<i64: 2, 16>, scalar_prefetch = 0 : i64, scratch_operands = 5 : i64, tpu.core_type = #tpu.core_type<sc_vector_subcore>, window_params = [{transform_indices = #map}, {transform_indices = #map}, {transform_indices = #map}, {transform_indices = #map}, {transform_indices = #map}]} {
    %mul3A = arith.constant 2 : i32
    %mul3A_0 = arith.muli %arg1, %mul3A : i32
    %add3A = arith.addi %mul3A_0, %arg0 : i32
    %mul3A_1 = arith.constant 3136 : i32
    %mul3A_2 = arith.muli %add3A, %mul3A_1 : i32
    %min3A = arith.constant 96864 : i32
    %min3A_3 = arith.minsi %mul3A_2, %min3A : i32
    %dma_start3A = tpu.memref_slice %arg3[%min3A_3] : memref<100000xi32, #tpu.memory_space<hbm>> -> memref<3136xi32, #tpu.memory_space<hbm>>
    %dma_start3A_4 = tpu.memref_slice %arg3[%min3A_3] : memref<100000xi32, #tpu.memory_space<hbm>> -> memref<3136xi32, #tpu.memory_space<hbm>>
    tpu.enqueue_dma source(%dma_start3A_4 : memref<3136xi32, #tpu.memory_space<hbm>>) target(%arg8 : memref<3136xi32, #tpu.memory_space<vmem>>) target_semaphore(%arg11 : memref<!tpu.dma_semaphore, #tpu.memory_space<semaphore_mem>>)
    %dma_start3A_5 = tpu.memref_slice %arg2[%min3A_3] : memref<100000xf32, #tpu.memory_space<hbm>> -> memref<3136xf32, #tpu.memory_space<hbm>>
    %dma_start3A_6 = tpu.memref_slice %arg2[%min3A_3] : memref<100000xf32, #tpu.memory_space<hbm>> -> memref<3136xf32, #tpu.memory_space<hbm>>
    tpu.enqueue_dma source(%dma_start3A_6 : memref<3136xf32, #tpu.memory_space<hbm>>) target(%arg7 : memref<3136xf32, #tpu.memory_space<vmem>>) target_semaphore(%arg11 : memref<!tpu.dma_semaphore, #tpu.memory_space<semaphore_mem>>)
    tpu.enqueue_dma source(%arg4 : memref<119xf32, #tpu.memory_space<hbm>>) target(%arg9 : memref<119xf32, #tpu.memory_space<vmem>>) target_semaphore(%arg11 : memref<!tpu.dma_semaphore, #tpu.memory_space<semaphore_mem>>)
    tpu.enqueue_dma source(%arg5 : memref<119xf32, #tpu.memory_space<hbm>>) target(%arg10 : memref<119xf32, #tpu.memory_space<vmem>>) target_semaphore(%arg11 : memref<!tpu.dma_semaphore, #tpu.memory_space<semaphore_mem>>)
    %dma_wait3A = tpu.memref_slice %arg3[%min3A_3] : memref<100000xi32, #tpu.memory_space<hbm>> -> memref<3136xi32, #tpu.memory_space<hbm>>
    %dma_wait3A_7 = tpu.memref_slice %arg3[%min3A_3] : memref<100000xi32, #tpu.memory_space<hbm>> -> memref<3136xi32, #tpu.memory_space<hbm>>
    tpu.wait_dma2 semaphore(%arg11 : memref<!tpu.dma_semaphore, #tpu.memory_space<semaphore_mem>>) src(%dma_wait3A_7 : memref<3136xi32, #tpu.memory_space<hbm>>) dst(%arg8 : memref<3136xi32, #tpu.memory_space<vmem>>)
    %dma_wait3A_8 = tpu.memref_slice %arg2[%min3A_3] : memref<100000xf32, #tpu.memory_space<hbm>> -> memref<3136xf32, #tpu.memory_space<hbm>>
    %dma_wait3A_9 = tpu.memref_slice %arg2[%min3A_3] : memref<100000xf32, #tpu.memory_space<hbm>> -> memref<3136xf32, #tpu.memory_space<hbm>>
    tpu.wait_dma2 semaphore(%arg11 : memref<!tpu.dma_semaphore, #tpu.memory_space<semaphore_mem>>) src(%dma_wait3A_9 : memref<3136xf32, #tpu.memory_space<hbm>>) dst(%arg7 : memref<3136xf32, #tpu.memory_space<vmem>>)
    tpu.wait_dma2 semaphore(%arg11 : memref<!tpu.dma_semaphore, #tpu.memory_space<semaphore_mem>>) src(%arg4 : memref<119xf32, #tpu.memory_space<hbm>>) dst(%arg9 : memref<119xf32, #tpu.memory_space<vmem>>)
    tpu.wait_dma2 semaphore(%arg11 : memref<!tpu.dma_semaphore, #tpu.memory_space<semaphore_mem>>) src(%arg5 : memref<119xf32, #tpu.memory_space<hbm>>) dst(%arg10 : memref<119xf32, #tpu.memory_space<vmem>>)
    %parallel_loop3A = arith.constant 0 : i32
    %parallel_loop3A_10 = arith.constant 3136 : i32
    %parallel_loop3A_11 = arith.constant 16 : i32
    scf.for %parallel_loop3A_12 = %parallel_loop3A to %parallel_loop3A_10 step %parallel_loop3A_11  : i32 {
      %parallel_loop3A_13 = arith.index_cast %parallel_loop3A_12 : i32 to index
      %parallel_loop3A_14 = tpu.vector_load %arg8[%parallel_loop3A_13] {strides = array<i32>} : memref<3136xi32, #tpu.memory_space<vmem>>, vector<16xi32>,
      %parallel_loop3A_15 = tpu.vector_load_idx %arg9[%parallel_loop3A_14] : memref<119xf32, #tpu.memory_space<vmem>>[vector<16xi32>], vector<16xf32>,
      %parallel_loop3A_16 = tpu.vector_load_idx %arg10[%parallel_loop3A_14] : memref<119xf32, #tpu.memory_space<vmem>>[vector<16xi32>], vector<16xf32>,
      %parallel_loop3A_17 = arith.index_cast %parallel_loop3A_12 : i32 to index
      %parallel_loop3A_18 = tpu.vector_load %arg7[%parallel_loop3A_17] {strides = array<i32>} : memref<3136xf32, #tpu.memory_space<vmem>>, vector<16xf32>,
      %parallel_loop3A_19 = arith.mulf %parallel_loop3A_18, %parallel_loop3A_15 : vector<16xf32>
      %parallel_loop3A_20 = arith.addf %parallel_loop3A_19, %parallel_loop3A_16 : vector<16xf32>
      %parallel_loop3A_21 = arith.index_cast %parallel_loop3A_12 : i32 to index
      %parallel_loop3A_22 = tpu.vector_load %arg7[%parallel_loop3A_21] {strides = array<i32>} : memref<3136xf32, #tpu.memory_space<vmem>>, vector<16xf32>,
      tpu.vector_store %arg7[%parallel_loop3A_21], %parallel_loop3A_20 {strides = array<i32>} : memref<3136xf32, #tpu.memory_space<vmem>>, vector<16xf32>,
    } {sc.loop_unroll_factor = 8 : i64, sc.parallel_access}
    "tpu.region"() ({
      %run_scoped3A = tpu.sem_alloc : memref<!tpu.dma_semaphore, #tpu.memory_space<semaphore_mem>>
      %dma_start3A_12 = tpu.memref_slice %arg6[%min3A_3] : memref<100000xf32, #tpu.memory_space<hbm>> -> memref<3136xf32, #tpu.memory_space<hbm>>
      %dma_start3A_13 = tpu.memref_slice %arg6[%min3A_3] : memref<100000xf32, #tpu.memory_space<hbm>> -> memref<3136xf32, #tpu.memory_space<hbm>>
      tpu.enqueue_dma source(%arg7 : memref<3136xf32, #tpu.memory_space<vmem>>) target(%dma_start3A_13 : memref<3136xf32, #tpu.memory_space<hbm>>) target_semaphore(%run_scoped3A : memref<!tpu.dma_semaphore, #tpu.memory_space<semaphore_mem>>)
      %dma_wait3A_14 = tpu.memref_slice %arg6[%min3A_3] : memref<100000xf32, #tpu.memory_space<hbm>> -> memref<3136xf32, #tpu.memory_space<hbm>>
      %dma_wait3A_15 = tpu.memref_slice %arg6[%min3A_3] : memref<100000xf32, #tpu.memory_space<hbm>> -> memref<3136xf32, #tpu.memory_space<hbm>>
      tpu.wait_dma2 semaphore(%run_scoped3A : memref<!tpu.dma_semaphore, #tpu.memory_space<semaphore_mem>>) src(%arg7 : memref<3136xf32, #tpu.memory_space<vmem>>) dst(%dma_wait3A_15 : memref<3136xf32, #tpu.memory_space<hbm>>)
      tpu.yield
    }) : () -> ()
    return
  }
}

</mosaic_0001>

<sc_bundles>
// kernel: _run.3.cloned.1.call-start
scs
__scs_entry_jumppad:
0x0: {  	(pc) =	sbr.rel $0x88, $3  }
0x1: {  	(tag) =	ssettag $0x0;
	lr =	simm.s32 $0x1  }
0x2: {  	[smem:$0x3F9D] =	sst lr;
	_ =	strace $0xD0000000  }
0x3: {  	_ = 	snop  }
0x4: {  	_ = 	snop  }
0x5: {  	_ = 	snop  }
0x6: {  	_ = 	snop  }
0x7: {  	_ = 	snop  }
__scs_overlays_trampoline_lowered:
0x8: {  	[smem:$0x3FAC] =	sst s0  }
0x9: {  	[smem:$0x3FAD] =	sst s1  }
0xa: {  	[smem:$0x3FAE] =	sst s2  }
0xb: {  	[smem:$0x3FAF] =	sst s3  }
0xc: {  	[smem:$0x3FB0] =	sst s4  }
0xd: {  	[smem:$0x3FB1] =	sst s5  }
0xe: {  	[smem:$0x3FB2] =	sst s6  }
0xf: {  	[smem:$0x3FB3] =	sst s7  }
0x10: {  	[smem:$0x3FB4] =	sst s8  }
0x11: {  	[smem:$0x3FB5] =	sst s9;
	s0 =	simm.s32 @!p0 $0x0  }
0x12: {  	s1 =	sld [smem:$0x3F9B];
	s0 =	simm.s32 @p0 $0x1  }
0x13: {  	[smem:$0x3FB6] =	sst s0;
	s0 =	simm.s32 @!p1 $0x0  }
0x14: {  	s2 =	sld [smem:$0x3F9A];
	s0 =	simm.s32 @p1 $0x1  }
0x15: {  	[smem:$0x3FB7] =	sst s0;
	s0 =	simm.s32 @!p2 $0x0  }
0x16: {  	s3 =	sld [smem:$0x3FDB];
	s0 =	simm.s32 @p2 $0x1  }
0x17: {  	s4 =	simm.s32 $0x1BF5;
	[smem:$0x3FB9] =	sst s0  }
0x18: {  	s0 =	sld [smem:$0x3F9C];
	_ =	swait.ge [sflag:s4], $0x0  }
0x19: {  	s7 =	sld [smem:$0x3F9D]  }
0x1a: {  	s8 =	sadd.s32 $0xFFFFE003, lr  }
0x1b: {  	s9 =	sadd.s32 $0xFFFFFEF7, lr;
	s5 =	simm.s32 $0xFFFFFFFF;
	p2 =	slt.u32 s8, $0xFFFFF086  }
0x1c: {  	p1 =	slt.u32 s9, $0xF7A;
	s5 =	simm.s32 @!p2 $0x0  }
0x1d: {  	s5 =	simm.s32 @p1 $0x1;
	p0 =	seq.s32 s7, s2  }
0x1e: {  	s7 =	smul.u32 @!p0 $0xF7A, s2;
	p2 =	seq.s32 @!p0 s5, $0x0  }
0x1f: {  	s9 =	smul.u32 $0xF7A, s1;
	s8 =	simm.s32 @!p0 $0x1BF5;
	p2 =	por !p2, p0  }
0x20: {  	[sflag:s8] =	ssyncset.s32 @!p0 $0xFFFFF086;
	s6 =	sadd.s32 @!p0 s3, s7;
	s7 =	simm.s32 @!p0 $0x108  }
0x21: {  	s3 =	sadd.s32 s3, s9;
	s6 =	sadd.s32 @!p0 $0x88, s6;
	s7 =	simm.s32 @p2 $0x1082  }
0x22: {  	[simem:s7], [sflag:s8] =	dma.local @!p0 [hbm:s6], $0xF7A  }
0x23: {  	s9 =	sor.u32 $0xD0000000, s2;
	s6 =	simm.s32 $0x108;
	_ =	swait.ge @!p0 [sflag:s8], $0x0  }
0x24: {  	s3 =	sadd.s32 $0x88, s3;
	s6 =	simm.s32 @!p1 $0x1082;
	[sflag:s4] =	ssyncset.s32 $0xFFFFF086  }
0x25: {  	[simem:s6], [sflag:s4] =	dma.local [hbm:s3], $0xF7A  }
0x26: {  	[smem:$0x3F9D] =	sst s1;
	(tag) =	ssettag s2;
	_ =	strace s9  }
0x27: {  	s1 =	sld [smem:$0x3FAD]  }
0x28: {  	s2 =	sld [smem:$0x3FAE]  }
0x29: {  	s4 =	sld [smem:$0x3FB0]  }
0x2a: {  	p0 =	seq.s32 s5, $0x0;
	s5 =	sld [smem:$0x3FB1]  }
0x2b: {  	s6 =	sld [smem:$0x3FB2]  }
0x2c: {  	s7 =	sld [smem:$0x3FB3]  }
0x2d: {  	s3 =	simm.s32 $0x108;
	s8 =	sld [smem:$0x3FB4]  }
0x2e: {  	s3 =	simm.s32 @!p0 $0x1082;
	s9 =	sld [smem:$0x3FB5]  }
0x2f: {  	lr =	sadd.s32 s0, s3;
	s0 =	sld [smem:$0x3FAC]  }
0x30: {  	s3 =	sld [smem:$0x3FAF]  }
0x31: {  	[smem:$0x3FB8] =	sst s10  }
0x32: {  	s10 =	sld [smem:$0x3FB6];
	_ =	sdelay $0x3  }
0x33: {  	p0 =	seq.s32 s10, $0x1;
	s10 =	sld [smem:$0x3FB8];
	_ =	sdelay $0x3  }
0x34: {  	[smem:$0x3FB8] =	sst s10  }
0x35: {  	s10 =	sld [smem:$0x3FB7];
	_ =	sdelay $0x3  }
0x36: {  	p1 =	seq.s32 s10, $0x1;
	s10 =	sld [smem:$0x3FB8];
	_ =	sdelay $0x3  }
0x37: {  	[smem:$0x3FB8] =	sst s10  }
0x38: {  	s10 =	sld [smem:$0x3FB9]  }
0x39: {  	_ = 	snop;
	(pc) =	sbr.ind lr, $3  }
0x3a: {  	_ = 	snop  }
0x3b: {  	_ = 	snop  }
0x3c: {  	p2 =	seq.s32 s10, $0x1;
	s10 =	sld [smem:$0x3FB8]  }
0x3d: {  	_ =	shalt  }
0x3e: {  	_ =	shalt  }
0x3f: {  	_ =	shalt  }
0x40: {  	_ =	shalt  }
0x41: {  	_ =	shalt  }
0x42: {  	_ =	shalt  }
0x43: {  	_ =	shalt  }
0x44: {  	_ =	shalt  }
0x45: {  	_ =	shalt  }
0x46: {  	_ =	shalt  }
0x47: {  	_ =	shalt  }
0x48: {  	_ =	shalt  }
0x49: {  	_ =	shalt  }
0x4a: {  	_ =	shalt  }
0x4b: {  	_ =	shalt  }
0x4c: {  	_ =	shalt  }
0x4d: {  	_ =	shalt  }
0x4e: {  	_ =	shalt  }
0x4f: {  	_ =	shalt  }
0x50: {  	_ =	shalt  }
0x51: {  	_ =	shalt  }
0x52: {  	_ =	shalt  }
0x53: {  	_ =	shalt  }
0x54: {  	_ =	shalt  }
0x55: {  	_ =	shalt  }
0x56: {  	_ =	shalt  }
0x57: {  	_ =	shalt  }
0x58: {  	_ =	shalt  }
0x59: {  	_ =	shalt  }
0x5a: {  	_ =	shalt  }
0x5b: {  	_ =	shalt  }
0x5c: {  	_ =	shalt  }
0x5d: {  	_ =	shalt  }
0x5e: {  	_ =	shalt  }
0x5f: {  	_ =	shalt  }
0x60: {  	_ =	shalt  }
0x61: {  	_ =	shalt  }
0x62: {  	_ =	shalt  }
0x63: {  	_ =	shalt  }
0x64: {  	_ =	shalt  }
0x65: {  	_ =	shalt  }
0x66: {  	_ =	shalt  }
0x67: {  	_ =	shalt  }
0x68: {  	_ =	shalt  }
0x69: {  	_ =	shalt  }
0x6a: {  	_ =	shalt  }
0x6b: {  	_ =	shalt  }
0x6c: {  	_ =	shalt  }
0x6d: {  	_ =	shalt  }
0x6e: {  	_ =	shalt  }
0x6f: {  	_ =	shalt  }
0x70: {  	_ =	shalt  }
0x71: {  	_ =	shalt  }
0x72: {  	_ =	shalt  }
0x73: {  	_ =	shalt  }
0x74: {  	_ =	shalt  }
0x75: {  	_ =	shalt  }
0x76: {  	_ =	shalt  }
0x77: {  	_ =	shalt  }
0x78: {  	_ =	shalt  }
0x79: {  	_ =	shalt  }
0x7a: {  	_ =	shalt  }
0x7b: {  	_ =	shalt  }
0x7c: {  	_ =	shalt  }
0x7d: {  	_ =	shalt  }
0x7e: {  	_ =	shalt  }
0x7f: {  	_ =	shalt  }
0x80: {  	_ =	shalt  }
0x81: {  	_ =	shalt  }
0x82: {  	_ =	shalt  }
0x83: {  	_ =	shalt  }
0x84: {  	_ =	shalt  }
0x85: {  	_ =	shalt  }
0x86: {  	_ =	shalt  }
0x87: {  	_ =	shalt  }
.Lfunc_end0:
.L_simem_size_0:
called_computation_lowered:
.L_overlay_start_0:
0x88: {  	s2 =	sld [smem:$0x3FD9]  }
0x89: {  	s3 =	sld [smem:$0x3FFE];
	_ =	sdelay $0x1  }
0x8a: {  	s1 =	srdreg.scid  }
0x8b: {  	s0 =	sand.u32 $0x1, s1  }
0x8c: {  	s18 =	sshll.u32 s0, $0xA;
	s2 =	sadd.s32 s3, s2  }
0x8d: {  	s2 =	sadd.s32 s2, s18  }
0x8e: {  	[smem:$0x3FC4] =	sst s2  }
0x8f: {  	_ = 	snop  }
0x90: {  	s2 =	sld [smem:$0x3FC9]  }
0x91: {  	s19 =	sld [smem:$0x3FC8]  }
0x92: {  	s4 =	sld [smem:$0x3FC7]  }
0x93: {  	s5 =	sld [smem:$0x3FC6]  }
0x94: {  	s6 =	sld [smem:$0x3FD0];
	(tm) =	ssettm $0x1  }
0x95: {  	s7 =	sld [smem:$0x3FFB];
	_ =	sdelay $0x3  }
0x96: {  	_ =	strace s7  }
0x97: {  	s7 =	sld [smem:$0x3FFC];
	_ =	sdelay $0x3  }
0x98: {  	_ =	strace s7  }
0x99: {  	s7 =	sld [smem:$0x3FFD];
	_ =	sdelay $0x3  }
0x9a: {  	_ =	strace s7  }
0x9b: {  	_ =	strace $0x8FFFFFFF  }
0x9c: {  	s20 =	sld [smem:$0x3FDB];
	_ =	sdelay $0x1  }
0x9d: {  	s8 =	simm.s32 $_scs_section_size  }
0x9e: {  	s9 =	simm.s32 $_size__tile_overlayer_lowered;
	s10 =	simm.s32 $_tile_overlayer_lowered  }
0x9f: {  	s23 =	simm.s32 $0x1BFF;
	s22 =	sshll.u32 s10, $0x1;
	s7 =	sadd.s32 s8, s20  }
0xa0: {  	s11 =	simm.s32 $0x0;
	s21 =	sshll.u32 s9, $0x1;
	s9 =	sadd.s32 s22, s7  }
0xa1: {  	[timem:s11], [sflag:s23] =	dma.local [hbm:s9], s21  }
0xa2: {  	_ =	swait.ge [sflag:s23], s21  }
0xa3: {  	s8 =	ssub.s32 $0x0, s21;
	[sflag:s23] =	ssyncset.done $0x0  }
0xa4: {  	[sflag:s23] =	ssyncadd.s32 s8;
	_ =	sdelay $0x1  }
0xa5: {  	s24 =	simm.s32 $0x1B8B  }
0xa6: {  	_ =	swait.ge [sflag:s24], $0x1  }
0xa7: {  	[sflag:s24] =	ssyncset.done $0x0  }
0xa8: {  	s25 =	simm.s32 $0x1B8E;
	[sflag:s24] =	ssyncadd.s32 $0xFFFFFFFF  }
0xa9: {  	s26 =	simm.s32 $execute0_lowered;
	[smem:$0x3FD2] =	sst s25  }
0xaa: {  	s8 =	sshll.u32 s26, $0x1;
	_ =	strace $0x80000046;
	[dreg:$0x1] =	wrdreg $0xFFFFFFFF  }
0xab: {  	s28 =	simm.s32 $_size_execute0_lowered;
	s7 =	sadd.s32 s7, s8;
	[dreg:$0x0] =	wrdreg $0x0  }
0xac: {  	s8 =	sshll.u32 s28, $0x1;
	[dreg:$0x2] =	wrdreg s7  }
0xad: {  	[dreg:$0x3] =	wrdreg s8  }
0xae: {  	[dreg:$0x4] =	wrdreg $0xC0  }
0xaf: {  	_ =	task [dreg:s11], $0x5FFFF  }
0xb0: {  	[dreg:$0x1] =	wrdreg $0xFFFFFFFF  }
0xb1: {  	[dreg:$0x0] =	wrdreg $0x60  }
0xb2: {  	[dreg:$0x2] =	wrdreg s2  }
0xb3: {  	[dreg:$0x3] =	wrdreg s19  }
0xb4: {  	[dreg:$0x4] =	wrdreg s4  }
0xb5: {  	[dreg:$0x5] =	wrdreg s5  }
0xb6: {  	[dreg:$0x6] =	wrdreg s6  }
0xb7: {  	[dreg:$0x7] =	wrdreg $0x9  }
0xb8: {  	_ =	task.clear_ibuf [dreg:s11], $0x8FFFF;
	_ =	strace $0x90000046  }
0xb9: {  	s29 =	simm.s32 $0x9;
	_ =	strace $0x80000048  }
0xba: {  	_ =	swait.ge [sflag:s29], $0x1  }
0xbb: {  	[sflag:s29] =	ssyncadd.s32 $0xFFFFFFFF  }
0xbc: {  	_ =	strace $0x90000048  }
0xbd: {  	_ =	sfence  }
0xbe: {  	s30 =	sld [smem:$0x0];
	_ =	sdelay $0x2  }
0xbf: {  	s31 =	sshll.u32 s1, $0xD;
	s1 =	sshrl.u32 s1, $0x2  }
0xc0: {  	s3 =	sand.u32 $0x4000, s31;
	s1 =	sadd.s32 s1, s30  }
0xc1: {  	s0 =	sor.u32 s3, s0;
	s1 =	sshll.u32 s1, $0x11  }
0xc2: {  	s0 =	sor.u32 s1, s0  }
0xc3: {  	s0 =	sadd.s32 $0x8F2B, s0  }
0xc4: {  	[sflag:s0] =	ssyncadd.remote.s32 $0x1  }
0xc5: {  	_ =	sfence.sel $0xFFFF  }
0xc6: {  	[dreg:$0x0] =	wrdreg $0xFFFFFFFF;
	(pc) =	sbr.abs _section_cstart, $3  }
0xc7: {  	[dreg:$0x1] =	wrdreg $0xFFFFFFFF  }
0xc8: {  	_ =	task.clear_ibuf [dreg:s11], $0x2FFFF;
	_ =	strace $0x9FFFFFFF  }
0xc9: {  	(tm) =	ssettm $0x7FFFFFFF  }
tec
execute0_lowered:
.L_overlay_start_1:
0x0: {  	(tag) =	ssettag $0x1  }
0x1: {  	s6 =	rddreg [dreg:$0x0]  }
0x2: {  	s5 =	rddreg [dreg:$0x1]  }
0x3: {  	s2 =	srdreg.scid;
	s1 =	rddreg [dreg:$0x2]  }
0x4: {  	s0 =	stileid.u32;
	s3 =	rddreg [dreg:$0x3]  }
0x5: {  	s8 =	rddreg [dreg:$0x4];
	s7 =	sand.u32 $0x1, s2;
	s31 =	sshll.u32 s0, $0x1  }
0x6: {  	s4 =	simm.s32 $0x0;
	s11 =	simm.s32 $0x1980;
	s2 =	sor.u32 s7, s31  }
0x7: {  	s12 =	simm.s32 $0x1;
	s13 =	simm.s32 $0x2;
	s9 =	smul.u32 $0xC40, s2  }
0x8: {  	s14 =	simm.s32 $0x0;
	[smem:$0x7FF] =	sst s4;
	s7 =	ssub.s32 $0x2, s7  }
0x9: {  	s2 =	rddreg [dreg:$0x5];
	s10 =	sshrl.u32 s7, $0x1;
	s9 =	smin.u32 s9, $0x17A60  }
0xa: {  	_ =	strace $0x80000047;
	s10 =	ssub.s32 s7, s10;
	s9 =	sshrl.u32 s9, $0x3  }
0xb: {  	s5 =	sadd.s32 s5, s9;
	s6 =	sadd.s32 s6, s9;
	s7 =	sadd.s32 s8, s9  }
0xc: {  	s8 =	smax.u32 s10, $0x1;
	s9 =	simm.s32 $0xC80;
	s10 =	simm.s32 $0x1900  }
.LBB2_1:
0xd: {  	[tilespmem:s9], [sflag:$0x1] =	stream.linear.gather [hbm4b:s5+s4], $0xC40, $0x38;
	[tilespmem:$0x1A00] =	vst v63  }
0xe: {  	_ = 	snop  }
0xf: {  	[tilespmem:s4], [sflag:$0x1] =	stream.linear.gather [hbm4b:s6+s4], $0xC40, $0x38;
	[tilespmem:$0x1A00] =	vst v63  }
0x10: {  	_ = 	snop  }
0x11: {  	[tilespmem:s10], [sflag:$0x1] =	stream.linear.gather [hbm4b:s1+s4], $0x80, $0x38;
	[tilespmem:$0x1A00] =	vst v63  }
0x12: {  	_ = 	snop  }
0x13: {  	[tilespmem:s11], [sflag:$0x1] =	stream.linear.gather [hbm4b:s3+s4], $0x80, $0x38;
	[tilespmem:$0x1A00] =	vst v63  }
0x14: {  	_ =	swait.ge [sflag:s12], $0xC40  }
0x15: {  	[sflag:s12] =	ssyncset.done $0x0  }
0x16: {  	[sflag:s12] =	ssyncadd.s32 $0xFFFFF3C0  }
0x17: {  	_ =	swait.ge [sflag:s12], $0xC40  }
0x18: {  	[sflag:s12] =	ssyncset.done $0x0  }
0x19: {  	[sflag:s12] =	ssyncadd.s32 $0xFFFFF3C0  }
0x1a: {  	_ =	swait.ge [sflag:s12], $0x80  }
0x1b: {  	[sflag:s12] =	ssyncset.done $0x0  }
0x1c: {  	[sflag:s12] =	ssyncadd.s32 $0xFFFFFF80  }
0x1d: {  	_ =	swait.ge [sflag:s12], $0x80  }
0x1e: {  	[sflag:s12] =	ssyncset.done $0x0  }
0x1f: {  	s15 =	simm.s32 $0xCC0;
	[sflag:s12] =	ssyncadd.s32 $0xFFFFFF80  }
0x20: {  	v0 =	vld [tilespmem:s15+$0x30]  }
0x21: {  	v1 =	vld [tilespmem:s15+$0xFFFFFFD0]  }
0x22: {  	v2 =	vld [tilespmem:s15+$0xFFFFFFE0]  }
0x23: {  	v3 =	vld [tilespmem:s15+$0xFFFFFFF0]  }
0x24: {  	v4 =	vld [tilespmem:s15+$0x0]  }
0x25: {  	v6 =	vld [tilespmem:s15+$0x10]  }
0x26: {  	v11 =	vld [tilespmem:s15+$0x20]  }
0x27: {  	v5 =	vld [tilespmem:s15+$0xFFFFFFC0];
	s15 =	simm.s32 $0x40  }
0x28: {  	v8 =	vld [tilespmem:s15+$0x30]  }
0x29: {  	v18 =	vld [tilespmem:s15+$0xFFFFFFC0]  }
0x2a: {  	v19 =	vld [tilespmem:s15+$0xFFFFFFD0]  }
0x2b: {  	v20 =	vld [tilespmem:s15+$0xFFFFFFE0]  }
0x2c: {  	v21 =	vld [tilespmem:s15+$0xFFFFFFF0]  }
0x2d: {  	v22 =	vld [tilespmem:s15+$0x0]  }
0x2e: {  	v23 =	vld [tilespmem:s15+$0x10]  }
0x2f: {  	v24 =	vld [tilespmem:s15+$0x20]  }
0x30: {  	v7 =	vld.idx.msk [tilespmem:v0+s10+$0x0], $0xffff  }
0x31: {  	v0 =	vld.idx.msk [tilespmem:v0+s11+$0x0], $0xffff  }
0x32: {  	v10 =	vld.idx.msk [tilespmem:v1+s10+$0x0], $0xffff  }
0x33: {  	v12 =	vld.idx.msk [tilespmem:v2+s10+$0x0], $0xffff  }
0x34: {  	v13 =	vld.idx.msk [tilespmem:v3+s10+$0x0], $0xffff  }
0x35: {  	v14 =	vld.idx.msk [tilespmem:v4+s10+$0x0], $0xffff  }
0x36: {  	v15 =	vld.idx.msk [tilespmem:v5+s10+$0x0], $0xffff  }
0x37: {  	v16 =	vld.idx.msk [tilespmem:v6+s10+$0x0], $0xffff  }
0x38: {  	v17 =	vld.idx.msk [tilespmem:v11+s10+$0x0], $0xffff  }
0x39: {  	v25 =	vld.idx.msk [tilespmem:v5+s11+$0x0], $0xffff  }
0x3a: {  	v9 =	vld.idx.msk [tilespmem:v1+s11+$0x0], $0xffff  }
0x3b: {  	v1 =	vld.idx.msk [tilespmem:v2+s11+$0x0], $0xffff  }
0x3c: {  	v3 =	vld.idx.msk [tilespmem:v3+s11+$0x0], $0xffff;
	v5 =	vmul.f32 v8, v7  }
0x3d: {  	v4 =	vld.idx.msk [tilespmem:v4+s11+$0x0], $0xffff;
	v15 =	vmul.f32 v18, v15  }
0x3e: {  	v11 =	vld.idx.msk [tilespmem:v11+s11+$0x0], $0xffff;
	v7 =	vmul.f32 v19, v10;
	v2 =	vmul.f32 v20, v12;
	v0 =	vadd.f32 v5, v0  }
0x3f: {  	s19 =	simm.s32 $0x0;
	s16 =	simm.s32 $0xBF0;
	v8 =	vmul.f32 v21, v13;
	v10 =	vld.idx.msk [tilespmem:v6+s11+$0x0], $0xffff;
	v6 =	vmul.f32 v23, v16  }
0x40: {  	s17 =	simm.s32 $0xC00;
	s18 =	simm.s32 $0x1880;
	s20 =	simm.s32 $0xD40;
	v5 =	vmul.f32 v22, v14;
	v12 =	vadd.f32 v15, v25;
	[tilespmem:s15+$0x30] =	vst v0;
	v0 =	vmul.f32 v24, v17  }
.LBB2_2:
0x41: {  	v13 =	vld [tilespmem:s20+$0x30];
	s19 =	sadd.s32 $0x80, s19;
	v7 =	vadd.f32 v7, v9  }
0x42: {  	v1 =	vadd.f32 v2, v1;
	v9 =	vld [tilespmem:s20+$0xFFFFFFD0];
	p0 =	slt.u32 s19, $0xB80;
	[tilespmem:s15+$0xFFFFFFC0] =	vst v12  }
0x43: {  	v2 =	vadd.f32 v8, v3;
	v12 =	vld [tilespmem:s20+$0xFFFFFFE0];
	[tilespmem:s15+$0xFFFFFFD0] =	vst v7  }
0x44: {  	v3 =	vld [tilespmem:s20+$0xFFFFFFF0];
	[tilespmem:s15+$0xFFFFFFE0] =	vst v1;
	v1 =	vadd.f32 v5, v4  }
0x45: {  	v4 =	vld [tilespmem:s20+$0x0];
	[tilespmem:s15+$0xFFFFFFF0] =	vst v2;
	v2 =	vadd.f32 v6, v10  }
0x46: {  	v0 =	vadd.f32 v0, v11;
	v10 =	vld [tilespmem:s20+$0x10];
	[tilespmem:s15+$0x0] =	vst v1  }
0x47: {  	v11 =	vld [tilespmem:s20+$0x20];
	[tilespmem:s15+$0x10] =	vst v2  }
0x48: {  	v1 =	vld [tilespmem:s20+$0xFFFFFFC0];
	[tilespmem:s15+$0x20] =	vst v0  }
0x49: {  	s15 =	sadd.s32 $0x80, s15;
	v0 =	vld.idx.msk [tilespmem:v13+s10+$0x0], $0xffff  }
0x4a: {  	v2 =	vld [tilespmem:s15+$0x30]  }
0x4b: {  	v5 =	vld.idx.msk [tilespmem:v13+s11+$0x0], $0xffff  }
0x4c: {  	v6 =	vld.idx.msk [tilespmem:v9+s10+$0x0], $0xffff  }
0x4d: {  	v8 =	vld.idx.msk [tilespmem:v12+s10+$0x0], $0xffff  }
0x4e: {  	v13 =	vld.idx.msk [tilespmem:v3+s10+$0x0], $0xffff  }
0x4f: {  	v14 =	vld.idx.msk [tilespmem:v4+s10+$0x0], $0xffff;
	v0 =	vmul.f32 v2, v0  }
0x50: {  	v2 =	vld.idx.msk [tilespmem:v1+s10+$0x0], $0xffff  }
0x51: {  	v15 =	vld.idx.msk [tilespmem:v10+s10+$0x0], $0xffff;
	v0 =	vadd.f32 v0, v5  }
0x52: {  	v16 =	vld.idx.msk [tilespmem:v11+s10+$0x0], $0xffff  }
0x53: {  	v5 =	vld [tilespmem:s15+$0xFFFFFFC0];
	[tilespmem:s15+$0x30] =	vst v0  }
0x54: {  	v0 =	vld [tilespmem:s15+$0xFFFFFFD0]  }
0x55: {  	v17 =	vld [tilespmem:s15+$0xFFFFFFE0]  }
0x56: {  	v18 =	vld [tilespmem:s15+$0xFFFFFFF0]  }
0x57: {  	v19 =	vld [tilespmem:s15+$0x0]  }
0x58: {  	v20 =	vmul.f32 v5, v2;
	v21 =	vld [tilespmem:s15+$0x10]  }
0x59: {  	v7 =	vmul.f32 v0, v6;
	v0 =	vld [tilespmem:s15+$0x20]  }
0x5a: {  	v22 =	vld.idx.msk [tilespmem:v1+s11+$0x0], $0xffff;
	v2 =	vmul.f32 v17, v8  }
0x5b: {  	v9 =	vld.idx.msk [tilespmem:v9+s11+$0x0], $0xffff;
	v8 =	vmul.f32 v18, v13  }
.Ltmp0:
0x5c: {  	v1 =	vld.idx.msk [tilespmem:v12+s11+$0x0], $0xffff;
	v5 =	vmul.f32 v19, v14;
	(pc) =	sbr.rel @p0 .LBB2_2-.Ltmp0, $4  }
0x5d: {  	v3 =	vld.idx.msk [tilespmem:v3+s11+$0x0], $0xffff;
	v6 =	vmul.f32 v21, v15  }
0x5e: {  	v4 =	vld.idx.msk [tilespmem:v4+s11+$0x0], $0xffff;
	v0 =	vmul.f32 v0, v16  }
0x5f: {  	v10 =	vld.idx.msk [tilespmem:v10+s11+$0x0], $0xffff  }
0x60: {  	s20 =	sadd.s32 $0x80, s20;
	v12 =	vadd.f32 v20, v22;
	v11 =	vld.idx.msk [tilespmem:v11+s11+$0x0], $0xffff  }
0x61: {  	v7 =	vadd.f32 v7, v9  }
0x62: {  	v1 =	vadd.f32 v2, v1;
	[tilespmem:s15+$0xFFFFFFC0] =	vst v12  }
0x63: {  	v61 =	vadd.f32 v8, v3;
	[tilespmem:s15+$0xFFFFFFD0] =	vst v7  }
0x64: {  	[tilespmem:s15+$0xFFFFFFE0] =	vst v1;
	v62 =	vadd.f32 v5, v4  }
0x65: {  	[tilespmem:s15+$0xFFFFFFF0] =	vst v61;
	v63 =	vadd.f32 v6, v10  }
0x66: {  	[tilespmem:s15+$0x0] =	vst v62;
	v0 =	vadd.f32 v0, v11  }
0x67: {  	[tilespmem:s15+$0x10] =	vst v63  }
0x68: {  	[tilespmem:s15+$0x20] =	vst v0  }
.LBB2_4:
0x69: {  	v0 =	vld [tilespmem:s18+$0x0];
	_ =	sdelay $0x6  }
0x6a: {  	v2 =	vld [tilespmem:s17+$0x0]  }
0x6b: {  	v1 =	vld.idx.msk [tilespmem:v0+s10+$0x0], $0xffff;
	_ =	sdelay $0x1  }
0x6c: {  	v0 =	vld.idx.msk [tilespmem:v0+s11+$0x0], $0xffff  }
0x6d: {  	s16 =	sadd.s32 $0x10, s16  }
0x6e: {  	p0 =	slt.u32 s16, $0xC30  }
.Ltmp1:
0x6f: {  	v1 =	vmul.f32 v2, v1;
	(pc) =	sbr.rel @p0 .LBB2_4-.Ltmp1, $3  }
0x70: {  	_ = 	snop  }
0x71: {  	v0 =	vadd.f32 v1, v0;
	_ =	sdelay $0x1  }
0x72: {  	s18 =	sadd.s32 $0x10, s18;
	[tilespmem:s17+$0x0] =	vst v0;
	s17 =	sadd.s32 $0x10, s17  }
0x73: {  	s14 =	sadd.s32 $0x1, s14  }
0x74: {  	p0 =	sne.s32 s14, s8  }
.Ltmp2:
0x75: {  	_ = 	snop;
	(pc) =	sbr.rel @p0 .LBB2_1-.Ltmp2, $4  }
0x76: {  	[hbm4b:s7+s4] =	stream.linear.scatter [tilespmem:s4], [sflag:$0x2], $0xC40, $0x38;
	[tilespmem:$0x1A00] =	vst v63  }
0x77: {  	_ =	swait.ge [sflag:s13], $0xC40  }
0x78: {  	[sflag:s13] =	ssyncset.done $0x0  }
0x79: {  	[sflag:s13] =	ssyncadd.s32 $0xFFFFF3C0  }
0x7a: {  	_ =	sfence.sel $0x180000  }
0x7b: {  	[bflag:$0x0] =	sbarrier.arrive $0xFFFF  }
0x7c: {  	p0 =	sne.s32 s0, $0x0;
	_ =	strace $0x90000047  }
0x7d: {  	s0 =	sadd.s32 @!p0 $0x100000, s2;
	[bflag:$0x2] =	sbarrier.arrive $0xFFFF  }
0x7e: {  	[sflag:s0] =	ssyncadd.tile.s32 @!p0 $0x1;
	_ =	shalt  }
.Lfunc_end2:
_tile_overlayer_lowered:
.L_overlay_start_2:
0x7f: {  	(tag) =	ssettag $0x2  }
0x80: {  	s0 =	rddreg [dreg:$0x0];
	s2 =	stileid.u32  }
0x81: {  	s1 =	rddreg [dreg:$0x1];
	p0 =	sne.s32 s2, $0x0  }
0x82: {  	s3 =	rddreg [dreg:$0x2];
	[bflag:$0x3] =	sbarrier.arrive $0xFFFF;
	s2 =	simm.s32 @!p0 $0x1C02  }
0x83: {  	[timem:s3], [sflag:s2] =	dma.local @!p0 [hbm:s0], s1  }
0x84: {  	s0 =	simm.s32 @!p0 $0x2  }
0x85: {  	_ =	swait.ge @!p0 [sflag:s0], s1  }
0x86: {  	s1 =	ssub.s32 @!p0 $0x0, s1;
	[sflag:s0] =	ssyncset.done @!p0 $0x0  }
0x87: {  	[sflag:s0] =	ssyncadd.s32 @!p0 s1  }
0x88: {  	[bflag:$0x3] =	sbarrier.arrive $0xFFFF  }
0x89: {  	_ =	shalt  }

</sc_bundles>
